<compile_context>
chip_gen: v7x
topology: tpu7x:2x2x1
jax: 0.10.2.dev20260603
libtpu: 0.0.44.dev20260713+nightly
codegen_flags: <defaults>
</compile_context>

<pallas_src>
import functools

import jax
import jax.numpy as jnp
from jax import lax
from jax.experimental import pallas as pl
from jax.experimental.pallas import tpu as pltpu
from jax.experimental.pallas import tpu_sc as plsc

_NCH = 2


@functools.lru_cache(maxsize=None)
def _make_kernel(V, D, B, C):
    info = plsc.get_sparse_core_info()
    NC, NS, L = info.num_cores, info.num_subcores, info.num_lanes
    NW = NC * NS
    assert B % (NW * _NCH) == 0 and D % L == 0 and C % L == 0
    b_per_w = B // NW
    ch = b_per_w // _NCH
    mesh = plsc.VectorSubcoreMesh(core_axis_name="c", subcore_axis_name="s")

    @functools.partial(
        pl.kernel,
        mesh=mesh,
        out_type=jax.ShapeDtypeStruct((B, D), jnp.float32),
        scratch_types=[
            pltpu.VMEM((b_per_w,), jnp.int32),
            pltpu.VMEM((b_per_w, D), jnp.float32),
            pltpu.VMEM((1, C), jnp.float32),
            pltpu.SemaphoreType.DMA,
            pltpu.SemaphoreType.DMA,
        ],
    )
    def k(idx_hbm, table_hbm, shared_hbm, out_hbm, idx_v, rows_v, sh_v, sg, sw):
        wid = lax.axis_index("s") * NC + lax.axis_index("c")
        base = wid * b_per_w
        pltpu.sync_copy(idx_hbm.at[pl.ds(base, b_per_w)], idx_v)
        sh_cp = pltpu.async_copy(shared_hbm, sh_v, sw)
        gathers = [
            pltpu.async_copy(
                table_hbm.at[idx_v.at[pl.ds(g * ch, ch)]],
                rows_v.at[pl.ds(g * ch, ch)],
                sg,
            )
            for g in range(_NCH)
        ]
        sh_cp.wait()
        shared_regs = [sh_v[0, pl.ds(j * L, L)] for j in range(C // L)]
        writes = []
        for g in range(_NCH):
            gathers[g].wait()

            def fill(i, carry, g=g):
                for j in range(C // L):
                    rows_v[g * ch + i, pl.ds(j * L, L)] = shared_regs[j]
                return carry

            lax.fori_loop(0, ch, fill, 0)
            writes.append(
                pltpu.async_copy(
                    rows_v.at[pl.ds(g * ch, ch)],
                    out_hbm.at[pl.ds(base + g * ch, ch)],
                    sw,
                )
            )
        for w in writes:
            w.wait()

    return k


def kernel(X, table, shared_embed):
    idx = X.astype(jnp.int32)
    k = _make_kernel(
        table.shape[0], table.shape[1], X.shape[0], shared_embed.shape[1]
    )
    return k(idx, table, shared_embed)

# --- scband reference (transcript-rebuilt; emitter-appended) ---
"""Pipeline reference for scband-shared-embeddings-17489106829589 (READ-ONLY COPY).

The authoritative reference and input builder live on the scoring server;
editing this copy changes nothing except your own understanding.
"""

import jax, jax.numpy as jnp
import numpy as np

N_EMBED = 100000
EMBED_DIM = 128
FRAC_SHARED = 0.25
COL_DIM = int(EMBED_DIM * FRAC_SHARED)  # 32
BATCH = 16384


def setup_inputs(seed: int = 0) -> dict:
    key = jax.random.key(seed)
    k_idx, k_tab, k_shared = jax.random.split(key, 3)
    X = jax.random.randint(k_idx, (BATCH,), 0, N_EMBED, dtype=jnp.int64)
    # nn.Embedding default init N(0,1), then clamp_(-2, 2); padding_idx=0 row zeroed
    table = jax.random.normal(k_tab, (N_EMBED, EMBED_DIM), dtype=jnp.float32)
    table = jnp.clip(table, -2.0, 2.0)
    table = table.at[0].set(0.0)
    shared_embed = jax.random.uniform(k_shared, (1, COL_DIM), dtype=jnp.float32, minval=-1.0, maxval=1.0)
    return {"X": X, "table": table, "shared_embed": shared_embed}


def reference(X, table, shared_embed):
    # embed lookup (dropout p=0.0 -> identity in eval / deterministic setting)
    out = jnp.take(table, X, axis=0)  # [B, embed_dim]
    # add_shared_embed=False -> overwrite first COL_DIM columns with shared embedding
    shared = jnp.broadcast_to(shared_embed, (out.shape[0], shared_embed.shape[1]))
    out = out.at[:, : shared_embed.shape[1]].set(shared)
    return out

if __name__ == "__main__":
    import jax
    _d = setup_inputs()
    print(jax.jit(kernel)(*tuple(_d.values())))

</pallas_src>

<mosaic_0001>
#map = affine_map<(d0, d1) -> (0)>
#map1 = affine_map<(d0, d1) -> (0, 0)>
module attributes {stable_mosaic.version = 14 : i64} {
  func.func @k(%arg0: i32, %arg1: i32, %arg2: memref<16384xi32, #tpu.memory_space<hbm>>, %arg3: memref<100000x128xf32, #tpu.memory_space<hbm>>, %arg4: memref<1x32xf32, #tpu.memory_space<hbm>>, %arg5: memref<16384x128xf32, #tpu.memory_space<hbm>>, %arg6: memref<512xi32, #tpu.memory_space<vmem>>, %arg7: memref<512x128xf32, #tpu.memory_space<vmem>>, %arg8: memref<1x32xf32, #tpu.memory_space<vmem>>, %arg9: memref<!tpu.dma_semaphore, #tpu.memory_space<semaphore_mem>>, %arg10: memref<!tpu.dma_semaphore, #tpu.memory_space<semaphore_mem>>) attributes {dimension_semantics = [#tpu.dimension_semantics<core_parallel>, #tpu.dimension_semantics<subcore_parallel>], iteration_bounds = array<i64: 2, 16>, scalar_prefetch = 0 : i64, scratch_operands = 5 : i64, tpu.core_type = #tpu.core_type<sc_vector_subcore>, window_params = [{transform_indices = #map}, {transform_indices = #map1}, {transform_indices = #map1}, {transform_indices = #map1}]} {
    %mul3A = arith.constant 2 : i32
    %mul3A_0 = arith.muli %arg1, %mul3A : i32
    %add3A = arith.addi %mul3A_0, %arg0 : i32
    %mul3A_1 = arith.constant 512 : i32
    %mul3A_2 = arith.muli %add3A, %mul3A_1 : i32
    "tpu.region"() ({
      %run_scoped3A = tpu.sem_alloc : memref<!tpu.dma_semaphore, #tpu.memory_space<semaphore_mem>>
      %dma_start3A_97 = tpu.memref_slice %arg2[%mul3A_2] : memref<16384xi32, #tpu.memory_space<hbm>> -> memref<512xi32, #tpu.memory_space<hbm>>
      %dma_start3A_98 = tpu.memref_slice %arg2[%mul3A_2] : memref<16384xi32, #tpu.memory_space<hbm>> -> memref<512xi32, #tpu.memory_space<hbm>>
      tpu.enqueue_dma source(%dma_start3A_98 : memref<512xi32, #tpu.memory_space<hbm>>) target(%arg6 : memref<512xi32, #tpu.memory_space<vmem>>) target_semaphore(%run_scoped3A : memref<!tpu.dma_semaphore, #tpu.memory_space<semaphore_mem>>)
      %dma_wait3A_99 = tpu.memref_slice %arg2[%mul3A_2] : memref<16384xi32, #tpu.memory_space<hbm>> -> memref<512xi32, #tpu.memory_space<hbm>>
      %dma_wait3A_100 = tpu.memref_slice %arg2[%mul3A_2] : memref<16384xi32, #tpu.memory_space<hbm>> -> memref<512xi32, #tpu.memory_space<hbm>>
      tpu.wait_dma2 semaphore(%run_scoped3A : memref<!tpu.dma_semaphore, #tpu.memory_space<semaphore_mem>>) src(%dma_wait3A_100 : memref<512xi32, #tpu.memory_space<hbm>>) dst(%arg6 : memref<512xi32, #tpu.memory_space<vmem>>)
      tpu.yield
    }) : () -> ()
    tpu.enqueue_dma source(%arg4 : memref<1x32xf32, #tpu.memory_space<hbm>>) target(%arg8 : memref<1x32xf32, #tpu.memory_space<vmem>>) target_semaphore(%arg10 : memref<!tpu.dma_semaphore, #tpu.memory_space<semaphore_mem>>)
    %dma_start3A = arith.constant 0 : i32
    %dma_start3A_3 = arith.constant 0 : i32
    %dma_start3A_4 = tpu.memref_slice %arg7[%dma_start3A, %dma_start3A_3] : memref<512x128xf32, #tpu.memory_space<vmem>> -> memref<256x128xf32, #tpu.memory_space<vmem>>
    %dma_start3A_5 = arith.constant 0 : i32
    %dma_start3A_6 = tpu.memref_slice %arg6[%dma_start3A_5] : memref<512xi32, #tpu.memory_space<vmem>> -> memref<256xi32, #tpu.memory_space<vmem>>
    %dma_start3A_7 = arith.constant 0 : i32
    %dma_start3A_8 = arith.constant 0 : i32
    %dma_start3A_9 = tpu.memref_slice %arg3[%dma_start3A_7, %dma_start3A_8] : memref<100000x128xf32, #tpu.memory_space<hbm>> -> memref<100000x128xf32, #tpu.memory_space<hbm>>
    tpu.enqueue_indirect_dma source(%dma_start3A_9 : memref<100000x128xf32, #tpu.memory_space<hbm>>) target(%dma_start3A_4 : memref<256x128xf32, #tpu.memory_space<vmem>>) offsets(%dma_start3A_6 : memref<256xi32, #tpu.memory_space<vmem>>) semaphore(%arg9 : memref<!tpu.dma_semaphore, #tpu.memory_space<semaphore_mem>>)
    %dma_start3A_10 = arith.constant 256 : i32
    %dma_start3A_11 = arith.constant 0 : i32
    %dma_start3A_12 = tpu.memref_slice %arg7[%dma_start3A_10, %dma_start3A_11] : memref<512x128xf32, #tpu.memory_space<vmem>> -> memref<256x128xf32, #tpu.memory_space<vmem>>
    %dma_start3A_13 = arith.constant 256 : i32
    %dma_start3A_14 = tpu.memref_slice %arg6[%dma_start3A_13] : memref<512xi32, #tpu.memory_space<vmem>> -> memref<256xi32, #tpu.memory_space<vmem>>
    %dma_start3A_15 = arith.constant 0 : i32
    %dma_start3A_16 = arith.constant 0 : i32
    %dma_start3A_17 = tpu.memref_slice %arg3[%dma_start3A_15, %dma_start3A_16] : memref<100000x128xf32, #tpu.memory_space<hbm>> -> memref<100000x128xf32, #tpu.memory_space<hbm>>
    tpu.enqueue_indirect_dma source(%dma_start3A_17 : memref<100000x128xf32, #tpu.memory_space<hbm>>) target(%dma_start3A_12 : memref<256x128xf32, #tpu.memory_space<vmem>>) offsets(%dma_start3A_14 : memref<256xi32, #tpu.memory_space<vmem>>) semaphore(%arg9 : memref<!tpu.dma_semaphore, #tpu.memory_space<semaphore_mem>>)
    tpu.wait_dma2 semaphore(%arg10 : memref<!tpu.dma_semaphore, #tpu.memory_space<semaphore_mem>>) src(%arg4 : memref<1x32xf32, #tpu.memory_space<hbm>>) dst(%arg8 : memref<1x32xf32, #tpu.memory_space<vmem>>)
    %get3A = arith.constant 0 : i32
    %get3A_18 = arith.index_cast %get3A : i32 to index
    %get3A_19 = arith.constant 0 : index
    %get3A_20 = tpu.vector_load %arg8[%get3A_18, %get3A_19] {strides = array<i32>} : memref<1x32xf32, #tpu.memory_space<vmem>>, vector<1x16xf32>,
    %get3A_21 = vector.shape_cast %get3A_20 : vector<1x16xf32> to vector<16xf32>
    %get3A_22 = arith.constant 0 : i32
    %get3A_23 = arith.index_cast %get3A_22 : i32 to index
    %get3A_24 = arith.constant 16 : index
    %get3A_25 = tpu.vector_load %arg8[%get3A_23, %get3A_24] {strides = array<i32>} : memref<1x32xf32, #tpu.memory_space<vmem>>, vector<1x16xf32>,
    %get3A_26 = vector.shape_cast %get3A_25 : vector<1x16xf32> to vector<16xf32>
    %dma_wait3A = arith.constant 0 : i32
    %dma_wait3A_27 = arith.constant 0 : i32
    %dma_wait3A_28 = tpu.memref_slice %arg7[%dma_wait3A, %dma_wait3A_27] : memref<512x128xf32, #tpu.memory_space<vmem>> -> memref<256x128xf32, #tpu.memory_space<vmem>>
    %dma_wait3A_29 = arith.constant 0 : i32
    %dma_wait3A_30 = tpu.memref_slice %arg6[%dma_wait3A_29] : memref<512xi32, #tpu.memory_space<vmem>> -> memref<256xi32, #tpu.memory_space<vmem>>
    %dma_wait3A_31 = arith.constant 0 : i32
    %dma_wait3A_32 = arith.constant 0 : i32
    %dma_wait3A_33 = tpu.memref_slice %arg3[%dma_wait3A_31, %dma_wait3A_32] : memref<100000x128xf32, #tpu.memory_space<hbm>> -> memref<100000x128xf32, #tpu.memory_space<hbm>>
    tpu.wait_indirect_dma semaphore(%arg9 : memref<!tpu.dma_semaphore, #tpu.memory_space<semaphore_mem>>) src(%dma_wait3A_33 : memref<100000x128xf32, #tpu.memory_space<hbm>>) dst(%dma_wait3A_28 : memref<256x128xf32, #tpu.memory_space<vmem>>)
    %scan3A = arith.constant 0 : i32
    %scan3A_34 = arith.constant 0 : i32
    %scan3A_35 = arith.constant 256 : i32
    %scan3A_36 = arith.addi %scan3A_34, %scan3A_35 : i32
    %scan3A_37 = arith.constant 1 : i32
    scf.for %scan3A_97 = %scan3A_34 to %scan3A_36 step %scan3A_37  : i32 {
      %add3A_98 = arith.constant 0 : i32
      %add3A_99 = arith.addi %add3A_98, %scan3A_97 : i32
      %swap3A = arith.index_cast %add3A_99 : i32 to index
      %swap3A_100 = arith.constant 0 : index
      %swap3A_101 = tpu.vector_load %arg7[%swap3A, %swap3A_100] {strides = array<i32>} : memref<512x128xf32, #tpu.memory_space<vmem>>, vector<1x16xf32>,
      %swap3A_102 = vector.shape_cast %swap3A_101 : vector<1x16xf32> to vector<16xf32>
      %swap3A_103 = vector.shape_cast %get3A_21 : vector<16xf32> to vector<1x16xf32>
      tpu.vector_store %arg7[%swap3A, %swap3A_100], %swap3A_103 {strides = array<i32>} : memref<512x128xf32, #tpu.memory_space<vmem>>, vector<1x16xf32>,
      %add3A_104 = arith.constant 0 : i32
      %add3A_105 = arith.addi %add3A_104, %scan3A_97 : i32
      %swap3A_106 = arith.index_cast %add3A_105 : i32 to index
      %swap3A_107 = arith.constant 16 : index
      %swap3A_108 = tpu.vector_load %arg7[%swap3A_106, %swap3A_107] {strides = array<i32>} : memref<512x128xf32, #tpu.memory_space<vmem>>, vector<1x16xf32>,
      %swap3A_109 = vector.shape_cast %swap3A_108 : vector<1x16xf32> to vector<16xf32>
      %swap3A_110 = vector.shape_cast %get3A_26 : vector<16xf32> to vector<1x16xf32>
      tpu.vector_store %arg7[%swap3A_106, %swap3A_107], %swap3A_110 {strides = array<i32>} : memref<512x128xf32, #tpu.memory_space<vmem>>, vector<1x16xf32>,
    }
    %scan3A_38 = arith.constant 256 : i32
    %add3A_39 = arith.constant 0 : i32
    %add3A_40 = arith.addi %mul3A_2, %add3A_39 : i32
    %dma_start3A_41 = arith.constant 0 : i32
    %dma_start3A_42 = arith.constant 0 : i32
    %dma_start3A_43 = tpu.memref_slice %arg7[%dma_start3A_41, %dma_start3A_42] : memref<512x128xf32, #tpu.memory_space<vmem>> -> memref<256x128xf32, #tpu.memory_space<vmem>>
    %dma_start3A_44 = arith.constant 0 : i32
    %dma_start3A_45 = tpu.memref_slice %arg5[%add3A_40, %dma_start3A_44] : memref<16384x128xf32, #tpu.memory_space<hbm>> -> memref<256x128xf32, #tpu.memory_space<hbm>>
    %dma_start3A_46 = arith.constant 0 : i32
    %dma_start3A_47 = tpu.memref_slice %arg5[%add3A_40, %dma_start3A_46] : memref<16384x128xf32, #tpu.memory_space<hbm>> -> memref<256x128xf32, #tpu.memory_space<hbm>>
    %dma_start3A_48 = arith.constant 0 : i32
    %dma_start3A_49 = arith.constant 0 : i32
    %dma_start3A_50 = tpu.memref_slice %arg7[%dma_start3A_48, %dma_start3A_49] : memref<512x128xf32, #tpu.memory_space<vmem>> -> memref<256x128xf32, #tpu.memory_space<vmem>>
    tpu.enqueue_dma source(%dma_start3A_50 : memref<256x128xf32, #tpu.memory_space<vmem>>) target(%dma_start3A_47 : memref<256x128xf32, #tpu.memory_space<hbm>>) target_semaphore(%arg10 : memref<!tpu.dma_semaphore, #tpu.memory_space<semaphore_mem>>)
    %dma_wait3A_51 = arith.constant 256 : i32
    %dma_wait3A_52 = arith.constant 0 : i32
    %dma_wait3A_53 = tpu.memref_slice %arg7[%dma_wait3A_51, %dma_wait3A_52] : memref<512x128xf32, #tpu.memory_space<vmem>> -> memref<256x128xf32, #tpu.memory_space<vmem>>
    %dma_wait3A_54 = arith.constant 256 : i32
    %dma_wait3A_55 = tpu.memref_slice %arg6[%dma_wait3A_54] : memref<512xi32, #tpu.memory_space<vmem>> -> memref<256xi32, #tpu.memory_space<vmem>>
    %dma_wait3A_56 = arith.constant 0 : i32
    %dma_wait3A_57 = arith.constant 0 : i32
    %dma_wait3A_58 = tpu.memref_slice %arg3[%dma_wait3A_56, %dma_wait3A_57] : memref<100000x128xf32, #tpu.memory_space<hbm>> -> memref<100000x128xf32, #tpu.memory_space<hbm>>
    tpu.wait_indirect_dma semaphore(%arg9 : memref<!tpu.dma_semaphore, #tpu.memory_space<semaphore_mem>>) src(%dma_wait3A_58 : memref<100000x128xf32, #tpu.memory_space<hbm>>) dst(%dma_wait3A_53 : memref<256x128xf32, #tpu.memory_space<vmem>>)
    %scan3A_59 = arith.constant 0 : i32
    %scan3A_60 = arith.constant 0 : i32
    %scan3A_61 = arith.constant 256 : i32
    %scan3A_62 = arith.addi %scan3A_60, %scan3A_61 : i32
    %scan3A_63 = arith.constant 1 : i32
    scf.for %scan3A_97 = %scan3A_60 to %scan3A_62 step %scan3A_63  : i32 {
      %add3A_98 = arith.constant 256 : i32
      %add3A_99 = arith.addi %add3A_98, %scan3A_97 : i32
      %swap3A = arith.index_cast %add3A_99 : i32 to index
      %swap3A_100 = arith.constant 0 : index
      %swap3A_101 = tpu.vector_load %arg7[%swap3A, %swap3A_100] {strides = array<i32>} : memref<512x128xf32, #tpu.memory_space<vmem>>, vector<1x16xf32>,
      %swap3A_102 = vector.shape_cast %swap3A_101 : vector<1x16xf32> to vector<16xf32>
      %swap3A_103 = vector.shape_cast %get3A_21 : vector<16xf32> to vector<1x16xf32>
      tpu.vector_store %arg7[%swap3A, %swap3A_100], %swap3A_103 {strides = array<i32>} : memref<512x128xf32, #tpu.memory_space<vmem>>, vector<1x16xf32>,
      %add3A_104 = arith.constant 256 : i32
      %add3A_105 = arith.addi %add3A_104, %scan3A_97 : i32
      %swap3A_106 = arith.index_cast %add3A_105 : i32 to index
      %swap3A_107 = arith.constant 16 : index
      %swap3A_108 = tpu.vector_load %arg7[%swap3A_106, %swap3A_107] {strides = array<i32>} : memref<512x128xf32, #tpu.memory_space<vmem>>, vector<1x16xf32>,
      %swap3A_109 = vector.shape_cast %swap3A_108 : vector<1x16xf32> to vector<16xf32>
      %swap3A_110 = vector.shape_cast %get3A_26 : vector<16xf32> to vector<1x16xf32>
      tpu.vector_store %arg7[%swap3A_106, %swap3A_107], %swap3A_110 {strides = array<i32>} : memref<512x128xf32, #tpu.memory_space<vmem>>, vector<1x16xf32>,
    }
    %scan3A_64 = arith.constant 256 : i32
    %add3A_65 = arith.constant 256 : i32
    %add3A_66 = arith.addi %mul3A_2, %add3A_65 : i32
    %dma_start3A_67 = arith.constant 256 : i32
    %dma_start3A_68 = arith.constant 0 : i32
    %dma_start3A_69 = tpu.memref_slice %arg7[%dma_start3A_67, %dma_start3A_68] : memref<512x128xf32, #tpu.memory_space<vmem>> -> memref<256x128xf32, #tpu.memory_space<vmem>>
    %dma_start3A_70 = arith.constant 0 : i32
    %dma_start3A_71 = tpu.memref_slice %arg5[%add3A_66, %dma_start3A_70] : memref<16384x128xf32, #tpu.memory_space<hbm>> -> memref<256x128xf32, #tpu.memory_space<hbm>>
    %dma_start3A_72 = arith.constant 0 : i32
    %dma_start3A_73 = tpu.memref_slice %arg5[%add3A_66, %dma_start3A_72] : memref<16384x128xf32, #tpu.memory_space<hbm>> -> memref<256x128xf32, #tpu.memory_space<hbm>>
    %dma_start3A_74 = arith.constant 256 : i32
    %dma_start3A_75 = arith.constant 0 : i32
    %dma_start3A_76 = tpu.memref_slice %arg7[%dma_start3A_74, %dma_start3A_75] : memref<512x128xf32, #tpu.memory_space<vmem>> -> memref<256x128xf32, #tpu.memory_space<vmem>>
    tpu.enqueue_dma source(%dma_start3A_76 : memref<256x128xf32, #tpu.memory_space<vmem>>) target(%dma_start3A_73 : memref<256x128xf32, #tpu.memory_space<hbm>>) target_semaphore(%arg10 : memref<!tpu.dma_semaphore, #tpu.memory_space<semaphore_mem>>)
    %dma_wait3A_77 = arith.constant 0 : i32
    %dma_wait3A_78 = arith.constant 0 : i32
    %dma_wait3A_79 = tpu.memref_slice %arg7[%dma_wait3A_77, %dma_wait3A_78] : memref<512x128xf32, #tpu.memory_space<vmem>> -> memref<256x128xf32, #tpu.memory_space<vmem>>
    %dma_wait3A_80 = arith.constant 0 : i32
    %dma_wait3A_81 = tpu.memref_slice %arg5[%add3A_40, %dma_wait3A_80] : memref<16384x128xf32, #tpu.memory_space<hbm>> -> memref<256x128xf32, #tpu.memory_space<hbm>>
    %dma_wait3A_82 = arith.constant 0 : i32
    %dma_wait3A_83 = tpu.memref_slice %arg5[%add3A_40, %dma_wait3A_82] : memref<16384x128xf32, #tpu.memory_space<hbm>> -> memref<256x128xf32, #tpu.memory_space<hbm>>
    %dma_wait3A_84 = arith.constant 0 : i32
    %dma_wait3A_85 = arith.constant 0 : i32
    %dma_wait3A_86 = tpu.memref_slice %arg7[%dma_wait3A_84, %dma_wait3A_85] : memref<512x128xf32, #tpu.memory_space<vmem>> -> memref<256x128xf32, #tpu.memory_space<vmem>>
    tpu.wait_dma2 semaphore(%arg10 : memref<!tpu.dma_semaphore, #tpu.memory_space<semaphore_mem>>) src(%dma_wait3A_86 : memref<256x128xf32, #tpu.memory_space<vmem>>) dst(%dma_wait3A_83 : memref<256x128xf32, #tpu.memory_space<hbm>>)
    %dma_wait3A_87 = arith.constant 256 : i32
    %dma_wait3A_88 = arith.constant 0 : i32
    %dma_wait3A_89 = tpu.memref_slice %arg7[%dma_wait3A_87, %dma_wait3A_88] : memref<512x128xf32, #tpu.memory_space<vmem>> -> memref<256x128xf32, #tpu.memory_space<vmem>>
    %dma_wait3A_90 = arith.constant 0 : i32
    %dma_wait3A_91 = tpu.memref_slice %arg5[%add3A_66, %dma_wait3A_90] : memref<16384x128xf32, #tpu.memory_space<hbm>> -> memref<256x128xf32, #tpu.memory_space<hbm>>
    %dma_wait3A_92 = arith.constant 0 : i32
    %dma_wait3A_93 = tpu.memref_slice %arg5[%add3A_66, %dma_wait3A_92] : memref<16384x128xf32, #tpu.memory_space<hbm>> -> memref<256x128xf32, #tpu.memory_space<hbm>>
    %dma_wait3A_94 = arith.constant 256 : i32
    %dma_wait3A_95 = arith.constant 0 : i32
    %dma_wait3A_96 = tpu.memref_slice %arg7[%dma_wait3A_94, %dma_wait3A_95] : memref<512x128xf32, #tpu.memory_space<vmem>> -> memref<256x128xf32, #tpu.memory_space<vmem>>
    tpu.wait_dma2 semaphore(%arg10 : memref<!tpu.dma_semaphore, #tpu.memory_space<semaphore_mem>>) src(%dma_wait3A_96 : memref<256x128xf32, #tpu.memory_space<vmem>>) dst(%dma_wait3A_93 : memref<256x128xf32, #tpu.memory_space<hbm>>)
    return
  }
}

</mosaic_0001>

<sc_bundles>
// kernel: kernel.3.cloned.1.call-start
scs
__scs_entry_jumppad:
0x0: {  	(pc) =	sbr.rel $0x88, $3  }
0x1: {  	(tag) =	ssettag $0x0;
	lr =	simm.s32 $0x1  }
0x2: {  	[smem:$0x3F9E] =	sst lr;
	_ =	strace $0xD0000000  }
0x3: {  	_ = 	snop  }
0x4: {  	_ = 	snop  }
0x5: {  	_ = 	snop  }
0x6: {  	_ = 	snop  }
0x7: {  	_ = 	snop  }
__scs_overlays_trampoline_lowered:
0x8: {  	[smem:$0x3FAD] =	sst s0  }
0x9: {  	[smem:$0x3FAE] =	sst s1  }
0xa: {  	[smem:$0x3FAF] =	sst s2  }
0xb: {  	[smem:$0x3FB0] =	sst s3  }
0xc: {  	[smem:$0x3FB1] =	sst s4  }
0xd: {  	[smem:$0x3FB2] =	sst s5  }
0xe: {  	[smem:$0x3FB3] =	sst s6  }
0xf: {  	[smem:$0x3FB4] =	sst s7  }
0x10: {  	[smem:$0x3FB5] =	sst s8  }
0x11: {  	[smem:$0x3FB6] =	sst s9;
	s0 =	simm.s32 @!p0 $0x0  }
0x12: {  	s1 =	sld [smem:$0x3F9C];
	s0 =	simm.s32 @p0 $0x1  }
0x13: {  	[smem:$0x3FB7] =	sst s0;
	s0 =	simm.s32 @!p1 $0x0  }
0x14: {  	s2 =	sld [smem:$0x3F9B];
	s0 =	simm.s32 @p1 $0x1  }
0x15: {  	[smem:$0x3FB8] =	sst s0;
	s0 =	simm.s32 @!p2 $0x0  }
0x16: {  	s3 =	sld [smem:$0x3FDB];
	s0 =	simm.s32 @p2 $0x1  }
0x17: {  	s4 =	simm.s32 $0x1BF5;
	[smem:$0x3FBA] =	sst s0  }
0x18: {  	s0 =	sld [smem:$0x3F9D];
	_ =	swait.ge [sflag:s4], $0x0  }
0x19: {  	s7 =	sld [smem:$0x3F9E]  }
0x1a: {  	s8 =	sadd.s32 $0xFFFFE003, lr  }
0x1b: {  	s9 =	sadd.s32 $0xFFFFFEF7, lr;
	s5 =	simm.s32 $0xFFFFFFFF;
	p2 =	slt.u32 s8, $0xFFFFF086  }
0x1c: {  	p1 =	slt.u32 s9, $0xF7A;
	s5 =	simm.s32 @!p2 $0x0  }
0x1d: {  	s5 =	simm.s32 @p1 $0x1;
	p0 =	seq.s32 s7, s2  }
0x1e: {  	s7 =	smul.u32 @!p0 $0xF7A, s2;
	p2 =	seq.s32 @!p0 s5, $0x0  }
0x1f: {  	s9 =	smul.u32 $0xF7A, s1;
	s8 =	simm.s32 @!p0 $0x1BF5;
	p2 =	por !p2, p0  }
0x20: {  	[sflag:s8] =	ssyncset.s32 @!p0 $0xFFFFF086;
	s6 =	sadd.s32 @!p0 s3, s7;
	s7 =	simm.s32 @!p0 $0x108  }
0x21: {  	s3 =	sadd.s32 s3, s9;
	s6 =	sadd.s32 @!p0 $0x88, s6;
	s7 =	simm.s32 @p2 $0x1082  }
0x22: {  	[simem:s7], [sflag:s8] =	dma.local @!p0 [hbm:s6], $0xF7A  }
0x23: {  	s9 =	sor.u32 $0xD0000000, s2;
	s6 =	simm.s32 $0x108;
	_ =	swait.ge @!p0 [sflag:s8], $0x0  }
0x24: {  	s3 =	sadd.s32 $0x88, s3;
	s6 =	simm.s32 @!p1 $0x1082;
	[sflag:s4] =	ssyncset.s32 $0xFFFFF086  }
0x25: {  	[simem:s6], [sflag:s4] =	dma.local [hbm:s3], $0xF7A  }
0x26: {  	[smem:$0x3F9E] =	sst s1;
	(tag) =	ssettag s2;
	_ =	strace s9  }
0x27: {  	s1 =	sld [smem:$0x3FAE]  }
0x28: {  	s2 =	sld [smem:$0x3FAF]  }
0x29: {  	s4 =	sld [smem:$0x3FB1]  }
0x2a: {  	p0 =	seq.s32 s5, $0x0;
	s5 =	sld [smem:$0x3FB2]  }
0x2b: {  	s6 =	sld [smem:$0x3FB3]  }
0x2c: {  	s7 =	sld [smem:$0x3FB4]  }
0x2d: {  	s3 =	simm.s32 $0x108;
	s8 =	sld [smem:$0x3FB5]  }
0x2e: {  	s3 =	simm.s32 @!p0 $0x1082;
	s9 =	sld [smem:$0x3FB6]  }
0x2f: {  	lr =	sadd.s32 s0, s3;
	s0 =	sld [smem:$0x3FAD]  }
0x30: {  	s3 =	sld [smem:$0x3FB0]  }
0x31: {  	[smem:$0x3FB9] =	sst s10  }
0x32: {  	s10 =	sld [smem:$0x3FB7];
	_ =	sdelay $0x3  }
0x33: {  	p0 =	seq.s32 s10, $0x1;
	s10 =	sld [smem:$0x3FB9];
	_ =	sdelay $0x3  }
0x34: {  	[smem:$0x3FB9] =	sst s10  }
0x35: {  	s10 =	sld [smem:$0x3FB8];
	_ =	sdelay $0x3  }
0x36: {  	p1 =	seq.s32 s10, $0x1;
	s10 =	sld [smem:$0x3FB9];
	_ =	sdelay $0x3  }
0x37: {  	[smem:$0x3FB9] =	sst s10  }
0x38: {  	s10 =	sld [smem:$0x3FBA]  }
0x39: {  	_ = 	snop;
	(pc) =	sbr.ind lr, $3  }
0x3a: {  	_ = 	snop  }
0x3b: {  	_ = 	snop  }
0x3c: {  	p2 =	seq.s32 s10, $0x1;
	s10 =	sld [smem:$0x3FB9]  }
0x3d: {  	_ =	shalt  }
0x3e: {  	_ =	shalt  }
0x3f: {  	_ =	shalt  }
0x40: {  	_ =	shalt  }
0x41: {  	_ =	shalt  }
0x42: {  	_ =	shalt  }
0x43: {  	_ =	shalt  }
0x44: {  	_ =	shalt  }
0x45: {  	_ =	shalt  }
0x46: {  	_ =	shalt  }
0x47: {  	_ =	shalt  }
0x48: {  	_ =	shalt  }
0x49: {  	_ =	shalt  }
0x4a: {  	_ =	shalt  }
0x4b: {  	_ =	shalt  }
0x4c: {  	_ =	shalt  }
0x4d: {  	_ =	shalt  }
0x4e: {  	_ =	shalt  }
0x4f: {  	_ =	shalt  }
0x50: {  	_ =	shalt  }
0x51: {  	_ =	shalt  }
0x52: {  	_ =	shalt  }
0x53: {  	_ =	shalt  }
0x54: {  	_ =	shalt  }
0x55: {  	_ =	shalt  }
0x56: {  	_ =	shalt  }
0x57: {  	_ =	shalt  }
0x58: {  	_ =	shalt  }
0x59: {  	_ =	shalt  }
0x5a: {  	_ =	shalt  }
0x5b: {  	_ =	shalt  }
0x5c: {  	_ =	shalt  }
0x5d: {  	_ =	shalt  }
0x5e: {  	_ =	shalt  }
0x5f: {  	_ =	shalt  }
0x60: {  	_ =	shalt  }
0x61: {  	_ =	shalt  }
0x62: {  	_ =	shalt  }
0x63: {  	_ =	shalt  }
0x64: {  	_ =	shalt  }
0x65: {  	_ =	shalt  }
0x66: {  	_ =	shalt  }
0x67: {  	_ =	shalt  }
0x68: {  	_ =	shalt  }
0x69: {  	_ =	shalt  }
0x6a: {  	_ =	shalt  }
0x6b: {  	_ =	shalt  }
0x6c: {  	_ =	shalt  }
0x6d: {  	_ =	shalt  }
0x6e: {  	_ =	shalt  }
0x6f: {  	_ =	shalt  }
0x70: {  	_ =	shalt  }
0x71: {  	_ =	shalt  }
0x72: {  	_ =	shalt  }
0x73: {  	_ =	shalt  }
0x74: {  	_ =	shalt  }
0x75: {  	_ =	shalt  }
0x76: {  	_ =	shalt  }
0x77: {  	_ =	shalt  }
0x78: {  	_ =	shalt  }
0x79: {  	_ =	shalt  }
0x7a: {  	_ =	shalt  }
0x7b: {  	_ =	shalt  }
0x7c: {  	_ =	shalt  }
0x7d: {  	_ =	shalt  }
0x7e: {  	_ =	shalt  }
0x7f: {  	_ =	shalt  }
0x80: {  	_ =	shalt  }
0x81: {  	_ =	shalt  }
0x82: {  	_ =	shalt  }
0x83: {  	_ =	shalt  }
0x84: {  	_ =	shalt  }
0x85: {  	_ =	shalt  }
0x86: {  	_ =	shalt  }
0x87: {  	_ =	shalt  }
.Lfunc_end0:
.L_simem_size_0:
called_computation_lowered:
.L_overlay_start_0:
0x88: {  	s2 =	sld [smem:$0x3FD9]  }
0x89: {  	s3 =	sld [smem:$0x3FFE];
	_ =	sdelay $0x1  }
0x8a: {  	s1 =	srdreg.scid  }
0x8b: {  	s0 =	sand.u32 $0x1, s1  }
0x8c: {  	s18 =	sshll.u32 s0, $0xA;
	s2 =	sadd.s32 s3, s2  }
0x8d: {  	s2 =	sadd.s32 s2, s18  }
0x8e: {  	[smem:$0x3FC5] =	sst s2  }
0x8f: {  	_ = 	snop  }
0x90: {  	s2 =	sld [smem:$0x3FC9]  }
0x91: {  	s19 =	sld [smem:$0x3FC8]  }
0x92: {  	s4 =	sld [smem:$0x3FC7]  }
0x93: {  	s5 =	sld [smem:$0x3FD0];
	(tm) =	ssettm $0x1  }
0x94: {  	s6 =	sld [smem:$0x3FFB];
	_ =	sdelay $0x3  }
0x95: {  	_ =	strace s6  }
0x96: {  	s6 =	sld [smem:$0x3FFC];
	_ =	sdelay $0x3  }
0x97: {  	_ =	strace s6  }
0x98: {  	s6 =	sld [smem:$0x3FFD];
	_ =	sdelay $0x3  }
0x99: {  	_ =	strace s6  }
0x9a: {  	_ =	strace $0x8FFFFFFF  }
0x9b: {  	s20 =	sld [smem:$0x3FDB];
	_ =	sdelay $0x1  }
0x9c: {  	s7 =	simm.s32 $_scs_section_size  }
0x9d: {  	s8 =	simm.s32 $_size__tile_overlayer_lowered;
	s9 =	simm.s32 $_tile_overlayer_lowered  }
0x9e: {  	s23 =	simm.s32 $0x1BFF;
	s22 =	sshll.u32 s9, $0x1;
	s6 =	sadd.s32 s7, s20  }
0x9f: {  	s10 =	simm.s32 $0x0;
	s21 =	sshll.u32 s8, $0x1;
	s8 =	sadd.s32 s22, s6  }
0xa0: {  	[timem:s10], [sflag:s23] =	dma.local [hbm:s8], s21  }
0xa1: {  	_ =	swait.ge [sflag:s23], s21  }
0xa2: {  	s7 =	ssub.s32 $0x0, s21;
	[sflag:s23] =	ssyncset.done $0x0  }
0xa3: {  	[sflag:s23] =	ssyncadd.s32 s7;
	_ =	sdelay $0x1  }
0xa4: {  	s24 =	simm.s32 $0x1B8B  }
0xa5: {  	_ =	swait.ge [sflag:s24], $0x1  }
0xa6: {  	[sflag:s24] =	ssyncset.done $0x0  }
0xa7: {  	s25 =	simm.s32 $0x1B8E;
	[sflag:s24] =	ssyncadd.s32 $0xFFFFFFFF  }
0xa8: {  	s26 =	simm.s32 $execute0_lowered;
	[smem:$0x3FD2] =	sst s25  }
0xa9: {  	s7 =	sshll.u32 s26, $0x1;
	_ =	strace $0x80000046;
	[dreg:$0x1] =	wrdreg $0xFFFFFFFF  }
0xaa: {  	s28 =	simm.s32 $_size_execute0_lowered;
	s6 =	sadd.s32 s6, s7;
	[dreg:$0x0] =	wrdreg $0x0  }
0xab: {  	s7 =	sshll.u32 s28, $0x1;
	[dreg:$0x2] =	wrdreg s6  }
0xac: {  	[dreg:$0x3] =	wrdreg s7  }
0xad: {  	[dreg:$0x4] =	wrdreg $0xC0  }
0xae: {  	_ =	task [dreg:s10], $0x5FFFF  }
0xaf: {  	[dreg:$0x1] =	wrdreg $0xFFFFFFFF  }
0xb0: {  	[dreg:$0x0] =	wrdreg $0x60  }
0xb1: {  	[dreg:$0x2] =	wrdreg s2  }
0xb2: {  	[dreg:$0x3] =	wrdreg s19  }
0xb3: {  	[dreg:$0x4] =	wrdreg s4  }
0xb4: {  	[dreg:$0x5] =	wrdreg s5  }
0xb5: {  	[dreg:$0x6] =	wrdreg $0x9  }
0xb6: {  	_ =	task.clear_ibuf [dreg:s10], $0x7FFFF;
	_ =	strace $0x90000046  }
0xb7: {  	s29 =	simm.s32 $0x9;
	_ =	strace $0x80000048  }
0xb8: {  	_ =	swait.ge [sflag:s29], $0x1  }
0xb9: {  	[sflag:s29] =	ssyncadd.s32 $0xFFFFFFFF  }
0xba: {  	_ =	strace $0x90000048  }
0xbb: {  	_ =	sfence  }
0xbc: {  	s30 =	sld [smem:$0x0];
	_ =	sdelay $0x2  }
0xbd: {  	s31 =	sshll.u32 s1, $0xD;
	s1 =	sshrl.u32 s1, $0x2  }
0xbe: {  	s3 =	sand.u32 $0x4000, s31;
	s1 =	sadd.s32 s1, s30  }
0xbf: {  	s0 =	sor.u32 s3, s0;
	s1 =	sshll.u32 s1, $0x11  }
0xc0: {  	s0 =	sor.u32 s1, s0  }
0xc1: {  	s0 =	sadd.s32 $0x8F2B, s0  }
0xc2: {  	[sflag:s0] =	ssyncadd.remote.s32 $0x1  }
0xc3: {  	_ =	sfence.sel $0xFFFF  }
0xc4: {  	[dreg:$0x0] =	wrdreg $0xFFFFFFFF;
	(pc) =	sbr.abs _section_cstart, $3  }
0xc5: {  	[dreg:$0x1] =	wrdreg $0xFFFFFFFF  }
0xc6: {  	_ =	task.clear_ibuf [dreg:s10], $0x2FFFF;
	_ =	strace $0x9FFFFFFF  }
0xc7: {  	(tm) =	ssettm $0x7FFFFFFF  }
tec
execute0_lowered:
.L_overlay_start_1:
0x0: {  	(tag) =	ssettag $0x1  }
0x1: {  	s6 =	rddreg [dreg:$0x0]  }
0x2: {  	s1 =	rddreg [dreg:$0x1]  }
0x3: {  	s3 =	rddreg [dreg:$0x2]  }
0x4: {  	s5 =	rddreg [dreg:$0x3];
	s4 =	srdreg.scid  }
0x5: {  	s0 =	rddreg [dreg:$0x4];
	s2 =	stileid.u32  }
0x6: {  	s11 =	simm.s32 $0x100;
	s12 =	simm.s32 $0x200;
	s13 =	simm.s32 $0x8200  }
0x7: {  	s14 =	simm.s32 $0x2;
	s15 =	simm.s32 $0x1;
	s16 =	simm.s32 $0x0  }
0x8: {  	s7 =	sand.u32 $0x1, s4;
	s4 =	simm.s32 $0x0;
	s8 =	sshll.u32 s2, $0xA  }
0x9: {  	s9 =	sshll.u32 s7, $0x9;
	[smem:$0x7FF] =	sst s4;
	s7 =	ssub.s32 $0x2, s7  }
0xa: {  	s8 =	sor.u32 s9, s8;
	_ =	strace $0x80000047;
	s10 =	sshrl.u32 s7, $0x1  }
0xb: {  	s9 =	sshll.u32 s8, $0x4;
	s8 =	sshrl.u32 s8, $0x3;
	s31 =	ssub.s32 s7, s10  }
0xc: {  	s10 =	simm.s32 $0x10200;
	s5 =	sadd.s32 s5, s9;
	s6 =	sadd.s32 s6, s8  }
0xd: {  	s8 =	smax.u32 s31, $0x1;
	s9 =	simm.s32 $0x3;
	s7 =	sadd.s32 $0x1000, s5  }
.LBB2_1:
0xe: {  	[tilespmem:s4], [sflag:$0x3] =	stream.linear.gather [hbm4b:s6+s4], $0x200, $0x38;
	[tilespmem:$0x10280] =	vst v63  }
0xf: {  	_ =	swait.ge [sflag:s9], $0x200  }
0x10: {  	[sflag:s9] =	ssyncset.done $0x0  }
0x11: {  	[sflag:s9] =	ssyncadd.s32 $0xFFFFFE00  }
0x12: {  	[tilespmem:s10], [sflag:$0x2] =	stream.linear.gather [hbm4b:s3+s4], $0x80, $0x38;
	[tilespmem:$0x10280] =	vst v63  }
0x13: {  	_ = 	snop  }
0x14: {  	[tilespmem:s12], [sflag:$0x1] =	stream.indirect.gather [hbm4b:s1+s11], $0x80, s4, s11, $0xb8;
	[tilespmem:$0x10280] =	vst v63  }
0x15: {  	_ = 	snop  }
0x16: {  	[tilespmem:s13], [sflag:$0x1] =	stream.indirect.gather [hbm4b:s1+s11], $0x80, s11, s11, $0xb8;
	[tilespmem:$0x10280] =	vst v63  }
0x17: {  	_ =	swait.ge [sflag:s14], $0x80  }
0x18: {  	[sflag:s14] =	ssyncset.done $0x0  }
0x19: {  	[sflag:s14] =	ssyncadd.s32 $0xFFFFFF80  }
0x1a: {  	v0 =	vld [tilespmem:$0x10200]  }
0x1b: {  	v1 =	vld [tilespmem:$0x10210]  }
0x1c: {  	_ =	swait.ge [sflag:s15], $0x8000  }
0x1d: {  	[sflag:s15] =	ssyncset.done $0x0  }
0x1e: {  	s17 =	simm.s32 $0x200;
	s18 =	simm.s32 $0x0;
	[sflag:s15] =	ssyncadd.s32 $0xFFFF8000  }
.LBB2_2:
0x1f: {  	p0 =	sne.s32 s17, $0x1FE00;
	[tilespmem:s18+$0x200] =	vst v0;
	s19 =	smov.u32 s17;
	s17 =	sadd.s32 $0x200, s17  }
.Ltmp0:
0x20: {  	[tilespmem:s18+$0x210] =	vst v1;
	(pc) =	sbr.rel @p0 .LBB2_2-.Ltmp0, $2  }
0x21: {  	_ =	sdelay $0x2  }
0x22: {  	s18 =	sshra.s32 s19, $0x2  }
0x23: {  	[tilespmem:s18+$0x200] =	vst v0  }
0x24: {  	[tilespmem:s18+$0x210] =	vst v1  }
0x25: {  	[hbm4b:s5+s4] =	stream.linear.scatter [tilespmem:s12], [sflag:$0x2], $0x8000, $0x38;
	[tilespmem:$0x10280] =	vst v63  }
0x26: {  	_ =	swait.ge [sflag:s15], $0x8000  }
0x27: {  	[sflag:s15] =	ssyncset.done $0x0  }
0x28: {  	s17 =	simm.s32 $0xFFFE0200;
	s18 =	simm.s32 $0xFFFF8000;
	[sflag:s15] =	ssyncadd.s32 $0xFFFF8000  }
.LBB2_4:
0x29: {  	p0 =	sne.s32 s17, $0xFFFFFE00;
	[tilespmem:s18+$0x10200] =	vst v0;
	s19 =	smov.u32 s17;
	s17 =	sadd.s32 $0x200, s17  }
.Ltmp1:
0x2a: {  	[tilespmem:s18+$0x10210] =	vst v1;
	(pc) =	sbr.rel @p0 .LBB2_4-.Ltmp1, $2  }
0x2b: {  	_ =	sdelay $0x2  }
0x2c: {  	s18 =	sshra.s32 s19, $0x2  }
0x2d: {  	[tilespmem:s18+$0x10200] =	vst v0  }
0x2e: {  	[tilespmem:s18+$0x10210] =	vst v1;
	s16 =	sadd.s32 $0x1, s16  }
0x2f: {  	[hbm4b:s7+s4] =	stream.linear.scatter [tilespmem:s13], [sflag:$0x2], $0x8000, $0x38;
	[tilespmem:$0x10280] =	vst v63  }
0x30: {  	p0 =	sne.s32 s16, s8;
	_ =	swait.ge [sflag:s14], $0x8000  }
.Ltmp2:
0x31: {  	[sflag:s14] =	ssyncset.done $0x0;
	(pc) =	sbr.rel @p0 .LBB2_1-.Ltmp2, $4  }
0x32: {  	[sflag:s14] =	ssyncadd.s32 $0xFFFF8000  }
0x33: {  	_ =	swait.ge [sflag:s14], $0x8000  }
0x34: {  	[sflag:s14] =	ssyncset.done $0x0  }
0x35: {  	[sflag:s14] =	ssyncadd.s32 $0xFFFF8000  }
0x36: {  	_ =	sfence.sel $0x180000  }
0x37: {  	[bflag:$0x0] =	sbarrier.arrive $0xFFFF  }
0x38: {  	p0 =	sne.s32 s2, $0x0;
	_ =	strace $0x90000047  }
0x39: {  	s0 =	sadd.s32 @!p0 $0x100000, s0;
	[bflag:$0x2] =	sbarrier.arrive $0xFFFF  }
0x3a: {  	[sflag:s0] =	ssyncadd.tile.s32 @!p0 $0x1;
	_ =	shalt  }
.Lfunc_end2:
_tile_overlayer_lowered:
.L_overlay_start_2:
0x3b: {  	(tag) =	ssettag $0x2  }
0x3c: {  	s0 =	rddreg [dreg:$0x0];
	s2 =	stileid.u32  }
0x3d: {  	s1 =	rddreg [dreg:$0x1];
	p0 =	sne.s32 s2, $0x0  }
0x3e: {  	s3 =	rddreg [dreg:$0x2];
	[bflag:$0x3] =	sbarrier.arrive $0xFFFF;
	s2 =	simm.s32 @!p0 $0x1C03  }
0x3f: {  	[timem:s3], [sflag:s2] =	dma.local @!p0 [hbm:s0], s1  }
0x40: {  	s0 =	simm.s32 @!p0 $0x3  }
0x41: {  	_ =	swait.ge @!p0 [sflag:s0], s1  }
0x42: {  	s1 =	ssub.s32 @!p0 $0x0, s1;
	[sflag:s0] =	ssyncset.done @!p0 $0x0  }
0x43: {  	[sflag:s0] =	ssyncadd.s32 @!p0 s1  }
0x44: {  	[bflag:$0x3] =	sbarrier.arrive $0xFFFF  }
0x45: {  	_ =	shalt  }

</sc_bundles>
